<compile_context>
chip_gen: v7x
topology: tpu7x:2x2x1
jax: 0.10.2.dev20260603
libtpu: 0.0.44.dev20260713+nightly
codegen_flags: <defaults>
</compile_context>

<pallas_src>
import functools

import jax
import jax.numpy as jnp
from jax import lax
from jax.experimental import pallas as pl
from jax.experimental.pallas import tpu as pltpu
from jax.experimental.pallas import tpu_sc as plsc

_N = 8192
_V = 8192
_D = 64
_BM = 1024
_BN = 1024

_SC_NC = 2
_SC_NS = 16
_SC_NW = _SC_NC * _SC_NS
_B_PER_W = _N // _SC_NW
_D_PAD = 128


def _l2norm(t):
    n = jnp.linalg.norm(t, axis=-1, keepdims=True)
    n = jnp.maximum(n, 1e-12)
    return t / n


def _argmin_body(zb_ref, w_ref, idx_ref, dmin_ref, dsum_ref):
    zb = zb_ref[...]
    cur_min = jnp.full((_BM, 1), jnp.inf, jnp.float32)
    cur_idx = jnp.zeros((_BM, 1), jnp.int32)
    for j in range(_V // _BN):
        wb = w_ref[pl.ds(j * _BN, _BN), :]
        s = lax.dot_general(zb, wb, (((1,), (1,)), ((), ())),
                            preferred_element_type=jnp.float32)
        d = 2.0 - 2.0 * s
        m = jnp.min(d, axis=1, keepdims=True)
        col = lax.broadcasted_iota(jnp.int32, (_BM, _BN), 1)
        a = jnp.min(jnp.where(d == m, col, _BN), axis=1, keepdims=True)
        take = m < cur_min
        cur_idx = jnp.where(take, a + j * _BN, cur_idx)
        cur_min = jnp.where(take, m, cur_min)
    idx_ref[...] = cur_idx
    dmin_ref[...] = cur_min

    @pl.when(pl.program_id(0) == 0)
    def _():
        dsum_ref[0] = 0.0

    dsum_ref[0] += jnp.sum(cur_min)


def _distance_argmin(z_n, w_n):
    return pl.pallas_call(
        _argmin_body,
        grid=(_N // _BM,),
        in_specs=[
            pl.BlockSpec((_BM, _D), lambda i: (i, 0)),
            pl.BlockSpec((_V, _D), lambda i: (0, 0)),
        ],
        out_specs=[
            pl.BlockSpec((_BM, 1), lambda i: (i, 0)),
            pl.BlockSpec((_BM, 1), lambda i: (i, 0)),
            pl.BlockSpec(memory_space=pltpu.SMEM),
        ],
        out_shape=[
            jax.ShapeDtypeStruct((_N, 1), jnp.int32),
            jax.ShapeDtypeStruct((_N, 1), jnp.float32),
            jax.ShapeDtypeStruct((1,), jnp.float32),
        ],
    )(z_n, w_n)


@functools.lru_cache(maxsize=1)
def _make_gather_sc():
    @functools.partial(
        pl.kernel,
        mesh=plsc.VectorSubcoreMesh(core_axis_name="c", subcore_axis_name="s"),
        out_type=jax.ShapeDtypeStruct((_N, _D_PAD), jnp.float32),
        scratch_types=[
            pltpu.VMEM((_B_PER_W,), jnp.int32),
            pltpu.VMEM((_B_PER_W, _D_PAD), jnp.float32),
            pltpu.SemaphoreType.DMA,
        ],
    )
    def _gather_sc(table_hbm, idx_hbm, out_hbm, idx_v, rows_v, sem):
        wid = lax.axis_index("s") * _SC_NC + lax.axis_index("c")
        base = wid * _B_PER_W
        pltpu.sync_copy(idx_hbm.at[pl.ds(base, _B_PER_W)], idx_v)
        pltpu.async_copy(table_hbm.at[idx_v], rows_v, sem).wait()
        pltpu.sync_copy(rows_v, out_hbm.at[pl.ds(base, _B_PER_W)])

    return _gather_sc


def kernel(z, W):
    beta = 0.25
    z_n = _l2norm(z).reshape(-1, _D)
    w_n = _l2norm(W)
    idx, _dmin, dsum = _distance_argmin(z_n, w_n)
    idx_flat = idx.reshape(_N)
    w_n_pad = jnp.pad(w_n, ((0, 0), (0, _D_PAD - _D)))
    z_q = _make_gather_sc()(w_n_pad, idx_flat)
    z_q_out = z_q[:, :_D].reshape(z.shape)
    loss = (1.0 + beta) * dsum[0] / (_N * _D)
    encoding_indices = idx_flat.reshape(z.shape[:-1])
    return (z_q_out, loss, encoding_indices)

# --- scband reference (transcript-rebuilt; emitter-appended) ---
"""Pipeline reference for scband-vector-quantizer-30245159699092 (READ-ONLY COPY).

The authoritative reference and input builder live on the scoring server;
editing this copy changes nothing except your own understanding.
"""

import jax, jax.numpy as jnp
import numpy as np


def l2norm(t):
    n = jnp.linalg.norm(t, axis=-1, keepdims=True)
    n = jnp.maximum(n, 1e-12)
    return t / n


def setup_inputs(seed: int = 0) -> dict:
    key = jax.random.key(seed)
    k1, k2 = jax.random.split(key)
    z = jax.random.normal(k1, (8, 1024, 64), dtype=jnp.float32)
    W = jax.random.normal(k2, (8192, 64), dtype=jnp.float32)
    return {"z": z, "W": W}


def reference(z, W):
    beta = 0.25
    e_dim = 64
    # use_norm=True path
    z = l2norm(z)
    z_flattened = z.reshape(-1, e_dim)
    embedd_norm = l2norm(W)
    d = 2.0 - 2.0 * jnp.einsum('bc,nc->bn', z_flattened, embedd_norm)
    encoding_indices = jnp.argmin(d, axis=1).reshape(z.shape[:-1])
    z_q = jnp.take(W, encoding_indices, axis=0)
    z_q = l2norm(z_q)
    sg = jax.lax.stop_gradient
    loss = beta * jnp.mean((sg(z_q) - z) ** 2) + jnp.mean((z_q - sg(z)) ** 2)
    z_q_out = z + sg(z_q - z)
    return (z_q_out, loss, encoding_indices)

if __name__ == "__main__":
    import jax
    _d = setup_inputs()
    print(jax.jit(kernel)(*tuple(_d.values())))

</pallas_src>

<mosaic_0001>
#map = affine_map<(d0, d1) -> (0, 0)>
#map1 = affine_map<(d0, d1) -> (0)>
module attributes {stable_mosaic.version = 14 : i64} {
  func.func @_gather_sc(%arg0: i32, %arg1: i32, %arg2: memref<8192x128xf32, #tpu.memory_space<hbm>>, %arg3: memref<8192xi32, #tpu.memory_space<hbm>>, %arg4: memref<8192x128xf32, #tpu.memory_space<hbm>>, %arg5: memref<256xi32, #tpu.memory_space<vmem>>, %arg6: memref<256x128xf32, #tpu.memory_space<vmem>>, %arg7: memref<!tpu.dma_semaphore, #tpu.memory_space<semaphore_mem>>) attributes {dimension_semantics = [#tpu.dimension_semantics<core_parallel>, #tpu.dimension_semantics<subcore_parallel>], iteration_bounds = array<i64: 2, 16>, scalar_prefetch = 0 : i64, scratch_operands = 3 : i64, tpu.core_type = #tpu.core_type<sc_vector_subcore>, window_params = [{transform_indices = #map}, {transform_indices = #map1}, {transform_indices = #map}]} {
    %mul3A = arith.constant 2 : i32
    %mul3A_0 = arith.muli %arg1, %mul3A : i32
    %add3A = arith.addi %mul3A_0, %arg0 : i32
    %mul3A_1 = arith.constant 256 : i32
    %mul3A_2 = arith.muli %add3A, %mul3A_1 : i32
    "tpu.region"() ({
      %run_scoped3A = tpu.sem_alloc : memref<!tpu.dma_semaphore, #tpu.memory_space<semaphore_mem>>
      %dma_start3A_7 = tpu.memref_slice %arg3[%mul3A_2] : memref<8192xi32, #tpu.memory_space<hbm>> -> memref<256xi32, #tpu.memory_space<hbm>>
      %dma_start3A_8 = tpu.memref_slice %arg3[%mul3A_2] : memref<8192xi32, #tpu.memory_space<hbm>> -> memref<256xi32, #tpu.memory_space<hbm>>
      tpu.enqueue_dma source(%dma_start3A_8 : memref<256xi32, #tpu.memory_space<hbm>>) target(%arg5 : memref<256xi32, #tpu.memory_space<vmem>>) target_semaphore(%run_scoped3A : memref<!tpu.dma_semaphore, #tpu.memory_space<semaphore_mem>>)
      %dma_wait3A_9 = tpu.memref_slice %arg3[%mul3A_2] : memref<8192xi32, #tpu.memory_space<hbm>> -> memref<256xi32, #tpu.memory_space<hbm>>
      %dma_wait3A_10 = tpu.memref_slice %arg3[%mul3A_2] : memref<8192xi32, #tpu.memory_space<hbm>> -> memref<256xi32, #tpu.memory_space<hbm>>
      tpu.wait_dma2 semaphore(%run_scoped3A : memref<!tpu.dma_semaphore, #tpu.memory_space<semaphore_mem>>) src(%dma_wait3A_10 : memref<256xi32, #tpu.memory_space<hbm>>) dst(%arg5 : memref<256xi32, #tpu.memory_space<vmem>>)
      tpu.yield
    }) : () -> ()
    %dma_start3A = arith.constant 0 : i32
    %dma_start3A_3 = arith.constant 0 : i32
    %dma_start3A_4 = tpu.memref_slice %arg2[%dma_start3A, %dma_start3A_3] : memref<8192x128xf32, #tpu.memory_space<hbm>> -> memref<8192x128xf32, #tpu.memory_space<hbm>>
    tpu.enqueue_indirect_dma source(%dma_start3A_4 : memref<8192x128xf32, #tpu.memory_space<hbm>>) target(%arg6 : memref<256x128xf32, #tpu.memory_space<vmem>>) offsets(%arg5 : memref<256xi32, #tpu.memory_space<vmem>>) semaphore(%arg7 : memref<!tpu.dma_semaphore, #tpu.memory_space<semaphore_mem>>)
    %dma_wait3A = arith.constant 0 : i32
    %dma_wait3A_5 = arith.constant 0 : i32
    %dma_wait3A_6 = tpu.memref_slice %arg2[%dma_wait3A, %dma_wait3A_5] : memref<8192x128xf32, #tpu.memory_space<hbm>> -> memref<8192x128xf32, #tpu.memory_space<hbm>>
    tpu.wait_indirect_dma semaphore(%arg7 : memref<!tpu.dma_semaphore, #tpu.memory_space<semaphore_mem>>) src(%dma_wait3A_6 : memref<8192x128xf32, #tpu.memory_space<hbm>>) dst(%arg6 : memref<256x128xf32, #tpu.memory_space<vmem>>)
    "tpu.region"() ({
      %run_scoped3A = tpu.sem_alloc : memref<!tpu.dma_semaphore, #tpu.memory_space<semaphore_mem>>
      %dma_start3A_7 = arith.constant 0 : i32
      %dma_start3A_8 = tpu.memref_slice %arg4[%mul3A_2, %dma_start3A_7] : memref<8192x128xf32, #tpu.memory_space<hbm>> -> memref<256x128xf32, #tpu.memory_space<hbm>>
      %dma_start3A_9 = arith.constant 0 : i32
      %dma_start3A_10 = tpu.memref_slice %arg4[%mul3A_2, %dma_start3A_9] : memref<8192x128xf32, #tpu.memory_space<hbm>> -> memref<256x128xf32, #tpu.memory_space<hbm>>
      tpu.enqueue_dma source(%arg6 : memref<256x128xf32, #tpu.memory_space<vmem>>) target(%dma_start3A_10 : memref<256x128xf32, #tpu.memory_space<hbm>>) target_semaphore(%run_scoped3A : memref<!tpu.dma_semaphore, #tpu.memory_space<semaphore_mem>>)
      %dma_wait3A_11 = arith.constant 0 : i32
      %dma_wait3A_12 = tpu.memref_slice %arg4[%mul3A_2, %dma_wait3A_11] : memref<8192x128xf32, #tpu.memory_space<hbm>> -> memref<256x128xf32, #tpu.memory_space<hbm>>
      %dma_wait3A_13 = arith.constant 0 : i32
      %dma_wait3A_14 = tpu.memref_slice %arg4[%mul3A_2, %dma_wait3A_13] : memref<8192x128xf32, #tpu.memory_space<hbm>> -> memref<256x128xf32, #tpu.memory_space<hbm>>
      tpu.wait_dma2 semaphore(%run_scoped3A : memref<!tpu.dma_semaphore, #tpu.memory_space<semaphore_mem>>) src(%arg6 : memref<256x128xf32, #tpu.memory_space<vmem>>) dst(%dma_wait3A_14 : memref<256x128xf32, #tpu.memory_space<hbm>>)
      tpu.yield
    }) : () -> ()
    return
  }
}

module attributes {stable_mosaic.version = 14 : i64} {
  func.func @_argmin_body(%arg0: i32, %arg1: memref<1024x64xf32, #tpu.memory_space<vmem>>, %arg2: memref<8192x64xf32, #tpu.memory_space<vmem>>, %arg3: memref<1024x1xi32, #tpu.memory_space<vmem>>, %arg4: memref<1024x1xf32, #tpu.memory_space<vmem>>, %arg5: memref<1xf32, #tpu.memory_space<smem>>) attributes {dimension_semantics = [#tpu.dimension_semantics<arbitrary>], iteration_bounds = array<i64: 8>, scalar_prefetch = 0 : i64, scratch_operands = 0 : i64, tpu.core_type = #tpu.core_type<tc>, window_params = [{transform_indices = @transform_0, window_bounds = array<i64: 1024, 64>}, {pipeline_mode = #tpu.pipeline_mode<synchronous>, transform_indices = @transform_1, window_bounds = array<i64: 8192, 64>}, {transform_indices = @transform_2, window_bounds = array<i64: 1024, 1>}, {transform_indices = @transform_3, window_bounds = array<i64: 1024, 1>}, {transform_indices = @transform_4, window_bounds = array<i64: 1>}]} {
    %get3A = arith.constant 0 : index
    %get3A_0 = arith.constant 0 : index
    %get3A_1 = vector.load %arg1[%get3A, %get3A_0] : memref<1024x64xf32, #tpu.memory_space<vmem>>, vector<1024x64xf32>
    %broadcast_in_dim3A = arith.constant 0x7F800000 : f32
    %broadcast_in_dim3A_2 = vector.broadcast %broadcast_in_dim3A : f32 to vector<1024x1xf32>
    %broadcast_in_dim3A_3 = arith.constant 0 : i32
    %broadcast_in_dim3A_4 = vector.broadcast %broadcast_in_dim3A_3 : i32 to vector<1024x1xi32>
    %get3A_5 = arith.constant 0 : index
    %get3A_6 = arith.constant 0 : index
    %get3A_7 = vector.load %arg2[%get3A_5, %get3A_6] : memref<8192x64xf32, #tpu.memory_space<vmem>>, vector<1024x64xf32>
    %dot_general3A = arith.constant dense<0.000000e+00> : vector<1024x1024xf32>
    %dot_general3A_8 = tpu.matmul %get3A_1, %get3A_7, %dot_general3A {dimension_numbers = #tpu.dot_dimension_numbers<[1], [1], [0], [0], [0, 0, 1, 0], [], []>, transpose_lhs_hint = false} : vector<1024x64xf32>, vector<1024x64xf32>, vector<1024x1024xf32> -> vector<1024x1024xf32>
    %mul3A = arith.constant 2.000000e+00 : f32
    %mul3A_9 = vector.broadcast %mul3A : f32 to vector<1024x1024xf32>
    %mul3A_10 = arith.mulf %mul3A_9, %dot_general3A_8 : vector<1024x1024xf32>
    %sub3A = arith.constant 2.000000e+00 : f32
    %sub3A_11 = vector.broadcast %sub3A : f32 to vector<1024x1024xf32>
    %sub3A_12 = arith.subf %sub3A_11, %mul3A_10 : vector<1024x1024xf32>
    %reduce_min3A = arith.constant dense<0x7F800000> : vector<1024xf32>
    %reduce_min3A_13 = vector.multi_reduction <minimumf>, %sub3A_12, %reduce_min3A [1] : vector<1024x1024xf32> to vector<1024xf32>
    %broadcast_in_dim3A_14 = vector.shape_cast %reduce_min3A_13 : vector<1024xf32> to vector<1024x1xf32>
    %iota3A = tpu.iota {dimensions = array<i32: 1>} : vector<1024x1024xi32>
    %eq3A = vector.broadcast %broadcast_in_dim3A_14 : vector<1024x1xf32> to vector<1024x1024xf32>
    %eq3A_15 = arith.cmpf oeq, %sub3A_12, %eq3A : vector<1024x1024xf32>
    %jit3A = arith.constant 1024 : i32
    %broadcast_in_dim3A_16 = vector.broadcast %jit3A : i32 to vector<1024x1024xi32>
    %select_n3A = arith.select %eq3A_15, %iota3A, %broadcast_in_dim3A_16 : vector<1024x1024xi1>, vector<1024x1024xi32>
    %reduce_min3A_17 = arith.constant dense<2147483647> : vector<1024xi32>
    %reduce_min3A_18 = vector.multi_reduction <minsi>, %select_n3A, %reduce_min3A_17 [1] : vector<1024x1024xi32> to vector<1024xi32>
    %broadcast_in_dim3A_19 = vector.shape_cast %reduce_min3A_18 : vector<1024xi32> to vector<1024x1xi32>
    %lt3A = arith.cmpf olt, %broadcast_in_dim3A_14, %broadcast_in_dim3A_2 : vector<1024x1xf32>
    %add3A = arith.constant 0 : i32
    %add3A_20 = vector.broadcast %add3A : i32 to vector<1024x1xi32>
    %add3A_21 = arith.addi %broadcast_in_dim3A_19, %add3A_20 : vector<1024x1xi32>
    %select_n3A_22 = arith.select %lt3A, %add3A_21, %broadcast_in_dim3A_4 : vector<1024x1xi1>, vector<1024x1xi32>
    %select_n3A_23 = arith.select %lt3A, %broadcast_in_dim3A_14, %broadcast_in_dim3A_2 : vector<1024x1xi1>, vector<1024x1xf32>
    %get3A_24 = arith.constant 1024 : index
    %get3A_25 = arith.constant 0 : index
    %get3A_26 = vector.load %arg2[%get3A_24, %get3A_25] : memref<8192x64xf32, #tpu.memory_space<vmem>>, vector<1024x64xf32>
    %dot_general3A_27 = arith.constant dense<0.000000e+00> : vector<1024x1024xf32>
    %dot_general3A_28 = tpu.matmul %get3A_1, %get3A_26, %dot_general3A_27 {dimension_numbers = #tpu.dot_dimension_numbers<[1], [1], [0], [0], [0, 0, 1, 0], [], []>, transpose_lhs_hint = false} : vector<1024x64xf32>, vector<1024x64xf32>, vector<1024x1024xf32> -> vector<1024x1024xf32>
    %mul3A_29 = arith.constant 2.000000e+00 : f32
    %mul3A_30 = vector.broadcast %mul3A_29 : f32 to vector<1024x1024xf32>
    %mul3A_31 = arith.mulf %mul3A_30, %dot_general3A_28 : vector<1024x1024xf32>
    %sub3A_32 = arith.constant 2.000000e+00 : f32
    %sub3A_33 = vector.broadcast %sub3A_32 : f32 to vector<1024x1024xf32>
    %sub3A_34 = arith.subf %sub3A_33, %mul3A_31 : vector<1024x1024xf32>
    %reduce_min3A_35 = arith.constant dense<0x7F800000> : vector<1024xf32>
    %reduce_min3A_36 = vector.multi_reduction <minimumf>, %sub3A_34, %reduce_min3A_35 [1] : vector<1024x1024xf32> to vector<1024xf32>
    %broadcast_in_dim3A_37 = vector.shape_cast %reduce_min3A_36 : vector<1024xf32> to vector<1024x1xf32>
    %iota3A_38 = tpu.iota {dimensions = array<i32: 1>} : vector<1024x1024xi32>
    %eq3A_39 = vector.broadcast %broadcast_in_dim3A_37 : vector<1024x1xf32> to vector<1024x1024xf32>
    %eq3A_40 = arith.cmpf oeq, %sub3A_34, %eq3A_39 : vector<1024x1024xf32>
    %jit3A_41 = arith.constant 1024 : i32
    %broadcast_in_dim3A_42 = vector.broadcast %jit3A_41 : i32 to vector<1024x1024xi32>
    %select_n3A_43 = arith.select %eq3A_40, %iota3A_38, %broadcast_in_dim3A_42 : vector<1024x1024xi1>, vector<1024x1024xi32>
    %reduce_min3A_44 = arith.constant dense<2147483647> : vector<1024xi32>
    %reduce_min3A_45 = vector.multi_reduction <minsi>, %select_n3A_43, %reduce_min3A_44 [1] : vector<1024x1024xi32> to vector<1024xi32>
    %broadcast_in_dim3A_46 = vector.shape_cast %reduce_min3A_45 : vector<1024xi32> to vector<1024x1xi32>
    %lt3A_47 = arith.cmpf olt, %broadcast_in_dim3A_37, %select_n3A_23 : vector<1024x1xf32>
    %add3A_48 = arith.constant 1024 : i32
    %add3A_49 = vector.broadcast %add3A_48 : i32 to vector<1024x1xi32>
    %add3A_50 = arith.addi %broadcast_in_dim3A_46, %add3A_49 : vector<1024x1xi32>
    %select_n3A_51 = arith.select %lt3A_47, %add3A_50, %select_n3A_22 : vector<1024x1xi1>, vector<1024x1xi32>
    %select_n3A_52 = arith.select %lt3A_47, %broadcast_in_dim3A_37, %select_n3A_23 : vector<1024x1xi1>, vector<1024x1xf32>
    %get3A_53 = arith.constant 2048 : index
    %get3A_54 = arith.constant 0 : index
    %get3A_55 = vector.load %arg2[%get3A_53, %get3A_54] : memref<8192x64xf32, #tpu.memory_space<vmem>>, vector<1024x64xf32>
    %dot_general3A_56 = arith.constant dense<0.000000e+00> : vector<1024x1024xf32>
    %dot_general3A_57 = tpu.matmul %get3A_1, %get3A_55, %dot_general3A_56 {dimension_numbers = #tpu.dot_dimension_numbers<[1], [1], [0], [0], [0, 0, 1, 0], [], []>, transpose_lhs_hint = false} : vector<1024x64xf32>, vector<1024x64xf32>, vector<1024x1024xf32> -> vector<1024x1024xf32>
    %mul3A_58 = arith.constant 2.000000e+00 : f32
    %mul3A_59 = vector.broadcast %mul3A_58 : f32 to vector<1024x1024xf32>
    %mul3A_60 = arith.mulf %mul3A_59, %dot_general3A_57 : vector<1024x1024xf32>
    %sub3A_61 = arith.constant 2.000000e+00 : f32
    %sub3A_62 = vector.broadcast %sub3A_61 : f32 to vector<1024x1024xf32>
    %sub3A_63 = arith.subf %sub3A_62, %mul3A_60 : vector<1024x1024xf32>
    %reduce_min3A_64 = arith.constant dense<0x7F800000> : vector<1024xf32>
    %reduce_min3A_65 = vector.multi_reduction <minimumf>, %sub3A_63, %reduce_min3A_64 [1] : vector<1024x1024xf32> to vector<1024xf32>
    %broadcast_in_dim3A_66 = vector.shape_cast %reduce_min3A_65 : vector<1024xf32> to vector<1024x1xf32>
    %iota3A_67 = tpu.iota {dimensions = array<i32: 1>} : vector<1024x1024xi32>
    %eq3A_68 = vector.broadcast %broadcast_in_dim3A_66 : vector<1024x1xf32> to vector<1024x1024xf32>
    %eq3A_69 = arith.cmpf oeq, %sub3A_63, %eq3A_68 : vector<1024x1024xf32>
    %jit3A_70 = arith.constant 1024 : i32
    %broadcast_in_dim3A_71 = vector.broadcast %jit3A_70 : i32 to vector<1024x1024xi32>
    %select_n3A_72 = arith.select %eq3A_69, %iota3A_67, %broadcast_in_dim3A_71 : vector<1024x1024xi1>, vector<1024x1024xi32>
    %reduce_min3A_73 = arith.constant dense<2147483647> : vector<1024xi32>
    %reduce_min3A_74 = vector.multi_reduction <minsi>, %select_n3A_72, %reduce_min3A_73 [1] : vector<1024x1024xi32> to vector<1024xi32>
    %broadcast_in_dim3A_75 = vector.shape_cast %reduce_min3A_74 : vector<1024xi32> to vector<1024x1xi32>
    %lt3A_76 = arith.cmpf olt, %broadcast_in_dim3A_66, %select_n3A_52 : vector<1024x1xf32>
    %add3A_77 = arith.constant 2048 : i32
    %add3A_78 = vector.broadcast %add3A_77 : i32 to vector<1024x1xi32>
    %add3A_79 = arith.addi %broadcast_in_dim3A_75, %add3A_78 : vector<1024x1xi32>
    %select_n3A_80 = arith.select %lt3A_76, %add3A_79, %select_n3A_51 : vector<1024x1xi1>, vector<1024x1xi32>
    %select_n3A_81 = arith.select %lt3A_76, %broadcast_in_dim3A_66, %select_n3A_52 : vector<1024x1xi1>, vector<1024x1xf32>
    %get3A_82 = arith.constant 3072 : index
    %get3A_83 = arith.constant 0 : index
    %get3A_84 = vector.load %arg2[%get3A_82, %get3A_83] : memref<8192x64xf32, #tpu.memory_space<vmem>>, vector<1024x64xf32>
    %dot_general3A_85 = arith.constant dense<0.000000e+00> : vector<1024x1024xf32>
    %dot_general3A_86 = tpu.matmul %get3A_1, %get3A_84, %dot_general3A_85 {dimension_numbers = #tpu.dot_dimension_numbers<[1], [1], [0], [0], [0, 0, 1, 0], [], []>, transpose_lhs_hint = false} : vector<1024x64xf32>, vector<1024x64xf32>, vector<1024x1024xf32> -> vector<1024x1024xf32>
    %mul3A_87 = arith.constant 2.000000e+00 : f32
    %mul3A_88 = vector.broadcast %mul3A_87 : f32 to vector<1024x1024xf32>
    %mul3A_89 = arith.mulf %mul3A_88, %dot_general3A_86 : vector<1024x1024xf32>
    %sub3A_90 = arith.constant 2.000000e+00 : f32
    %sub3A_91 = vector.broadcast %sub3A_90 : f32 to vector<1024x1024xf32>
    %sub3A_92 = arith.subf %sub3A_91, %mul3A_89 : vector<1024x1024xf32>
    %reduce_min3A_93 = arith.constant dense<0x7F800000> : vector<1024xf32>
    %reduce_min3A_94 = vector.multi_reduction <minimumf>, %sub3A_92, %reduce_min3A_93 [1] : vector<1024x1024xf32> to vector<1024xf32>
    %broadcast_in_dim3A_95 = vector.shape_cast %reduce_min3A_94 : vector<1024xf32> to vector<1024x1xf32>
    %iota3A_96 = tpu.iota {dimensions = array<i32: 1>} : vector<1024x1024xi32>
    %eq3A_97 = vector.broadcast %broadcast_in_dim3A_95 : vector<1024x1xf32> to vector<1024x1024xf32>
    %eq3A_98 = arith.cmpf oeq, %sub3A_92, %eq3A_97 : vector<1024x1024xf32>
    %jit3A_99 = arith.constant 1024 : i32
    %broadcast_in_dim3A_100 = vector.broadcast %jit3A_99 : i32 to vector<1024x1024xi32>
    %select_n3A_101 = arith.select %eq3A_98, %iota3A_96, %broadcast_in_dim3A_100 : vector<1024x1024xi1>, vector<1024x1024xi32>
    %reduce_min3A_102 = arith.constant dense<2147483647> : vector<1024xi32>
    %reduce_min3A_103 = vector.multi_reduction <minsi>, %select_n3A_101, %reduce_min3A_102 [1] : vector<1024x1024xi32> to vector<1024xi32>
    %broadcast_in_dim3A_104 = vector.shape_cast %reduce_min3A_103 : vector<1024xi32> to vector<1024x1xi32>
    %lt3A_105 = arith.cmpf olt, %broadcast_in_dim3A_95, %select_n3A_81 : vector<1024x1xf32>
    %add3A_106 = arith.constant 3072 : i32
    %add3A_107 = vector.broadcast %add3A_106 : i32 to vector<1024x1xi32>
    %add3A_108 = arith.addi %broadcast_in_dim3A_104, %add3A_107 : vector<1024x1xi32>
    %select_n3A_109 = arith.select %lt3A_105, %add3A_108, %select_n3A_80 : vector<1024x1xi1>, vector<1024x1xi32>
    %select_n3A_110 = arith.select %lt3A_105, %broadcast_in_dim3A_95, %select_n3A_81 : vector<1024x1xi1>, vector<1024x1xf32>
    %get3A_111 = arith.constant 4096 : index
    %get3A_112 = arith.constant 0 : index
    %get3A_113 = vector.load %arg2[%get3A_111, %get3A_112] : memref<8192x64xf32, #tpu.memory_space<vmem>>, vector<1024x64xf32>
    %dot_general3A_114 = arith.constant dense<0.000000e+00> : vector<1024x1024xf32>
    %dot_general3A_115 = tpu.matmul %get3A_1, %get3A_113, %dot_general3A_114 {dimension_numbers = #tpu.dot_dimension_numbers<[1], [1], [0], [0], [0, 0, 1, 0], [], []>, transpose_lhs_hint = false} : vector<1024x64xf32>, vector<1024x64xf32>, vector<1024x1024xf32> -> vector<1024x1024xf32>
    %mul3A_116 = arith.constant 2.000000e+00 : f32
    %mul3A_117 = vector.broadcast %mul3A_116 : f32 to vector<1024x1024xf32>
    %mul3A_118 = arith.mulf %mul3A_117, %dot_general3A_115 : vector<1024x1024xf32>
    %sub3A_119 = arith.constant 2.000000e+00 : f32
    %sub3A_120 = vector.broadcast %sub3A_119 : f32 to vector<1024x1024xf32>
    %sub3A_121 = arith.subf %sub3A_120, %mul3A_118 : vector<1024x1024xf32>
    %reduce_min3A_122 = arith.constant dense<0x7F800000> : vector<1024xf32>
    %reduce_min3A_123 = vector.multi_reduction <minimumf>, %sub3A_121, %reduce_min3A_122 [1] : vector<1024x1024xf32> to vector<1024xf32>
    %broadcast_in_dim3A_124 = vector.shape_cast %reduce_min3A_123 : vector<1024xf32> to vector<1024x1xf32>
    %iota3A_125 = tpu.iota {dimensions = array<i32: 1>} : vector<1024x1024xi32>
    %eq3A_126 = vector.broadcast %broadcast_in_dim3A_124 : vector<1024x1xf32> to vector<1024x1024xf32>
    %eq3A_127 = arith.cmpf oeq, %sub3A_121, %eq3A_126 : vector<1024x1024xf32>
    %jit3A_128 = arith.constant 1024 : i32
    %broadcast_in_dim3A_129 = vector.broadcast %jit3A_128 : i32 to vector<1024x1024xi32>
    %select_n3A_130 = arith.select %eq3A_127, %iota3A_125, %broadcast_in_dim3A_129 : vector<1024x1024xi1>, vector<1024x1024xi32>
    %reduce_min3A_131 = arith.constant dense<2147483647> : vector<1024xi32>
    %reduce_min3A_132 = vector.multi_reduction <minsi>, %select_n3A_130, %reduce_min3A_131 [1] : vector<1024x1024xi32> to vector<1024xi32>
    %broadcast_in_dim3A_133 = vector.shape_cast %reduce_min3A_132 : vector<1024xi32> to vector<1024x1xi32>
    %lt3A_134 = arith.cmpf olt, %broadcast_in_dim3A_124, %select_n3A_110 : vector<1024x1xf32>
    %add3A_135 = arith.constant 4096 : i32
    %add3A_136 = vector.broadcast %add3A_135 : i32 to vector<1024x1xi32>
    %add3A_137 = arith.addi %broadcast_in_dim3A_133, %add3A_136 : vector<1024x1xi32>
    %select_n3A_138 = arith.select %lt3A_134, %add3A_137, %select_n3A_109 : vector<1024x1xi1>, vector<1024x1xi32>
    %select_n3A_139 = arith.select %lt3A_134, %broadcast_in_dim3A_124, %select_n3A_110 : vector<1024x1xi1>, vector<1024x1xf32>
    %get3A_140 = arith.constant 5120 : index
    %get3A_141 = arith.constant 0 : index
    %get3A_142 = vector.load %arg2[%get3A_140, %get3A_141] : memref<8192x64xf32, #tpu.memory_space<vmem>>, vector<1024x64xf32>
    %dot_general3A_143 = arith.constant dense<0.000000e+00> : vector<1024x1024xf32>
    %dot_general3A_144 = tpu.matmul %get3A_1, %get3A_142, %dot_general3A_143 {dimension_numbers = #tpu.dot_dimension_numbers<[1], [1], [0], [0], [0, 0, 1, 0], [], []>, transpose_lhs_hint = false} : vector<1024x64xf32>, vector<1024x64xf32>, vector<1024x1024xf32> -> vector<1024x1024xf32>
    %mul3A_145 = arith.constant 2.000000e+00 : f32
    %mul3A_146 = vector.broadcast %mul3A_145 : f32 to vector<1024x1024xf32>
    %mul3A_147 = arith.mulf %mul3A_146, %dot_general3A_144 : vector<1024x1024xf32>
    %sub3A_148 = arith.constant 2.000000e+00 : f32
    %sub3A_149 = vector.broadcast %sub3A_148 : f32 to vector<1024x1024xf32>
    %sub3A_150 = arith.subf %sub3A_149, %mul3A_147 : vector<1024x1024xf32>
    %reduce_min3A_151 = arith.constant dense<0x7F800000> : vector<1024xf32>
    %reduce_min3A_152 = vector.multi_reduction <minimumf>, %sub3A_150, %reduce_min3A_151 [1] : vector<1024x1024xf32> to vector<1024xf32>
    %broadcast_in_dim3A_153 = vector.shape_cast %reduce_min3A_152 : vector<1024xf32> to vector<1024x1xf32>
    %iota3A_154 = tpu.iota {dimensions = array<i32: 1>} : vector<1024x1024xi32>
    %eq3A_155 = vector.broadcast %broadcast_in_dim3A_153 : vector<1024x1xf32> to vector<1024x1024xf32>
    %eq3A_156 = arith.cmpf oeq, %sub3A_150, %eq3A_155 : vector<1024x1024xf32>
    %jit3A_157 = arith.constant 1024 : i32
    %broadcast_in_dim3A_158 = vector.broadcast %jit3A_157 : i32 to vector<1024x1024xi32>
    %select_n3A_159 = arith.select %eq3A_156, %iota3A_154, %broadcast_in_dim3A_158 : vector<1024x1024xi1>, vector<1024x1024xi32>
    %reduce_min3A_160 = arith.constant dense<2147483647> : vector<1024xi32>
    %reduce_min3A_161 = vector.multi_reduction <minsi>, %select_n3A_159, %reduce_min3A_160 [1] : vector<1024x1024xi32> to vector<1024xi32>
    %broadcast_in_dim3A_162 = vector.shape_cast %reduce_min3A_161 : vector<1024xi32> to vector<1024x1xi32>
    %lt3A_163 = arith.cmpf olt, %broadcast_in_dim3A_153, %select_n3A_139 : vector<1024x1xf32>
    %add3A_164 = arith.constant 5120 : i32
    %add3A_165 = vector.broadcast %add3A_164 : i32 to vector<1024x1xi32>
    %add3A_166 = arith.addi %broadcast_in_dim3A_162, %add3A_165 : vector<1024x1xi32>
    %select_n3A_167 = arith.select %lt3A_163, %add3A_166, %select_n3A_138 : vector<1024x1xi1>, vector<1024x1xi32>
    %select_n3A_168 = arith.select %lt3A_163, %broadcast_in_dim3A_153, %select_n3A_139 : vector<1024x1xi1>, vector<1024x1xf32>
    %get3A_169 = arith.constant 6144 : index
    %get3A_170 = arith.constant 0 : index
    %get3A_171 = vector.load %arg2[%get3A_169, %get3A_170] : memref<8192x64xf32, #tpu.memory_space<vmem>>, vector<1024x64xf32>
    %dot_general3A_172 = arith.constant dense<0.000000e+00> : vector<1024x1024xf32>
    %dot_general3A_173 = tpu.matmul %get3A_1, %get3A_171, %dot_general3A_172 {dimension_numbers = #tpu.dot_dimension_numbers<[1], [1], [0], [0], [0, 0, 1, 0], [], []>, transpose_lhs_hint = false} : vector<1024x64xf32>, vector<1024x64xf32>, vector<1024x1024xf32> -> vector<1024x1024xf32>
    %mul3A_174 = arith.constant 2.000000e+00 : f32
    %mul3A_175 = vector.broadcast %mul3A_174 : f32 to vector<1024x1024xf32>
    %mul3A_176 = arith.mulf %mul3A_175, %dot_general3A_173 : vector<1024x1024xf32>
    %sub3A_177 = arith.constant 2.000000e+00 : f32
    %sub3A_178 = vector.broadcast %sub3A_177 : f32 to vector<1024x1024xf32>
    %sub3A_179 = arith.subf %sub3A_178, %mul3A_176 : vector<1024x1024xf32>
    %reduce_min3A_180 = arith.constant dense<0x7F800000> : vector<1024xf32>
    %reduce_min3A_181 = vector.multi_reduction <minimumf>, %sub3A_179, %reduce_min3A_180 [1] : vector<1024x1024xf32> to vector<1024xf32>
    %broadcast_in_dim3A_182 = vector.shape_cast %reduce_min3A_181 : vector<1024xf32> to vector<1024x1xf32>
    %iota3A_183 = tpu.iota {dimensions = array<i32: 1>} : vector<1024x1024xi32>
    %eq3A_184 = vector.broadcast %broadcast_in_dim3A_182 : vector<1024x1xf32> to vector<1024x1024xf32>
    %eq3A_185 = arith.cmpf oeq, %sub3A_179, %eq3A_184 : vector<1024x1024xf32>
    %jit3A_186 = arith.constant 1024 : i32
    %broadcast_in_dim3A_187 = vector.broadcast %jit3A_186 : i32 to vector<1024x1024xi32>
    %select_n3A_188 = arith.select %eq3A_185, %iota3A_183, %broadcast_in_dim3A_187 : vector<1024x1024xi1>, vector<1024x1024xi32>
    %reduce_min3A_189 = arith.constant dense<2147483647> : vector<1024xi32>
    %reduce_min3A_190 = vector.multi_reduction <minsi>, %select_n3A_188, %reduce_min3A_189 [1] : vector<1024x1024xi32> to vector<1024xi32>
    %broadcast_in_dim3A_191 = vector.shape_cast %reduce_min3A_190 : vector<1024xi32> to vector<1024x1xi32>
    %lt3A_192 = arith.cmpf olt, %broadcast_in_dim3A_182, %select_n3A_168 : vector<1024x1xf32>
    %add3A_193 = arith.constant 6144 : i32
    %add3A_194 = vector.broadcast %add3A_193 : i32 to vector<1024x1xi32>
    %add3A_195 = arith.addi %broadcast_in_dim3A_191, %add3A_194 : vector<1024x1xi32>
    %select_n3A_196 = arith.select %lt3A_192, %add3A_195, %select_n3A_167 : vector<1024x1xi1>, vector<1024x1xi32>
    %select_n3A_197 = arith.select %lt3A_192, %broadcast_in_dim3A_182, %select_n3A_168 : vector<1024x1xi1>, vector<1024x1xf32>
    %get3A_198 = arith.constant 7168 : index
    %get3A_199 = arith.constant 0 : index
    %get3A_200 = vector.load %arg2[%get3A_198, %get3A_199] : memref<8192x64xf32, #tpu.memory_space<vmem>>, vector<1024x64xf32>
    %dot_general3A_201 = arith.constant dense<0.000000e+00> : vector<1024x1024xf32>
    %dot_general3A_202 = tpu.matmul %get3A_1, %get3A_200, %dot_general3A_201 {dimension_numbers = #tpu.dot_dimension_numbers<[1], [1], [0], [0], [0, 0, 1, 0], [], []>, transpose_lhs_hint = false} : vector<1024x64xf32>, vector<1024x64xf32>, vector<1024x1024xf32> -> vector<1024x1024xf32>
    %mul3A_203 = arith.constant 2.000000e+00 : f32
    %mul3A_204 = vector.broadcast %mul3A_203 : f32 to vector<1024x1024xf32>
    %mul3A_205 = arith.mulf %mul3A_204, %dot_general3A_202 : vector<1024x1024xf32>
    %sub3A_206 = arith.constant 2.000000e+00 : f32
    %sub3A_207 = vector.broadcast %sub3A_206 : f32 to vector<1024x1024xf32>
    %sub3A_208 = arith.subf %sub3A_207, %mul3A_205 : vector<1024x1024xf32>
    %reduce_min3A_209 = arith.constant dense<0x7F800000> : vector<1024xf32>
    %reduce_min3A_210 = vector.multi_reduction <minimumf>, %sub3A_208, %reduce_min3A_209 [1] : vector<1024x1024xf32> to vector<1024xf32>
    %broadcast_in_dim3A_211 = vector.shape_cast %reduce_min3A_210 : vector<1024xf32> to vector<1024x1xf32>
    %iota3A_212 = tpu.iota {dimensions = array<i32: 1>} : vector<1024x1024xi32>
    %eq3A_213 = vector.broadcast %broadcast_in_dim3A_211 : vector<1024x1xf32> to vector<1024x1024xf32>
    %eq3A_214 = arith.cmpf oeq, %sub3A_208, %eq3A_213 : vector<1024x1024xf32>
    %jit3A_215 = arith.constant 1024 : i32
    %broadcast_in_dim3A_216 = vector.broadcast %jit3A_215 : i32 to vector<1024x1024xi32>
    %select_n3A_217 = arith.select %eq3A_214, %iota3A_212, %broadcast_in_dim3A_216 : vector<1024x1024xi1>, vector<1024x1024xi32>
    %reduce_min3A_218 = arith.constant dense<2147483647> : vector<1024xi32>
    %reduce_min3A_219 = vector.multi_reduction <minsi>, %select_n3A_217, %reduce_min3A_218 [1] : vector<1024x1024xi32> to vector<1024xi32>
    %broadcast_in_dim3A_220 = vector.shape_cast %reduce_min3A_219 : vector<1024xi32> to vector<1024x1xi32>
    %lt3A_221 = arith.cmpf olt, %broadcast_in_dim3A_211, %select_n3A_197 : vector<1024x1xf32>
    %add3A_222 = arith.constant 7168 : i32
    %add3A_223 = vector.broadcast %add3A_222 : i32 to vector<1024x1xi32>
    %add3A_224 = arith.addi %broadcast_in_dim3A_220, %add3A_223 : vector<1024x1xi32>
    %select_n3A_225 = arith.select %lt3A_221, %add3A_224, %select_n3A_196 : vector<1024x1xi1>, vector<1024x1xi32>
    %select_n3A_226 = arith.select %lt3A_221, %broadcast_in_dim3A_211, %select_n3A_197 : vector<1024x1xi1>, vector<1024x1xf32>
    %swap3A = arith.constant 0 : index
    %swap3A_227 = arith.constant 0 : index
    %swap3A_228 = vector.load %arg3[%swap3A, %swap3A_227] : memref<1024x1xi32, #tpu.memory_space<vmem>>, vector<1024x1xi32>
    tpu.vector_store %arg3[%swap3A, %swap3A_227], %select_n3A_225 {strides = array<i32>} : memref<1024x1xi32, #tpu.memory_space<vmem>>, vector<1024x1xi32>,
    %swap3A_229 = arith.constant 0 : index
    %swap3A_230 = arith.constant 0 : index
    %swap3A_231 = vector.load %arg4[%swap3A_229, %swap3A_230] : memref<1024x1xf32, #tpu.memory_space<vmem>>, vector<1024x1xf32>
    tpu.vector_store %arg4[%swap3A_229, %swap3A_230], %select_n3A_226 {strides = array<i32>} : memref<1024x1xf32, #tpu.memory_space<vmem>>, vector<1024x1xf32>,
    %eq3A_232 = arith.constant 0 : i32
    %eq3A_233 = arith.cmpi eq, %arg0, %eq3A_232 : i32
    %convert_element_type3A = arith.extui %eq3A_233 : i1 to i32
    %cond3A = arith.constant 0 : i32
    %cond3A_234 = arith.cmpi ne, %convert_element_type3A, %cond3A : i32
    scf.if %cond3A_234 {
      %swap3A_244 = arith.constant 0.000000e+00 : f32
      %swap3A_245 = arith.constant 0 : index
      %swap3A_246 = memref.load %arg5[%swap3A_245] : memref<1xf32, #tpu.memory_space<smem>>
      memref.store %swap3A_244, %arg5[%swap3A_245] : memref<1xf32, #tpu.memory_space<smem>>
    } else {
    }
    %get3A_235 = arith.constant 0 : index
    %get3A_236 = memref.load %arg5[%get3A_235] : memref<1xf32, #tpu.memory_space<smem>>
    %reduce_sum3A = vector.shape_cast %select_n3A_226 : vector<1024x1xf32> to vector<1x1024x1xf32>
    %reduce_sum3A_237 = arith.constant dense<0.000000e+00> : vector<1xf32>
    %reduce_sum3A_238 = vector.multi_reduction <add>, %reduce_sum3A, %reduce_sum3A_237 [1, 2] : vector<1x1024x1xf32> to vector<1xf32>
    %reduce_sum3A_239 = vector.shape_cast %reduce_sum3A_238 : vector<1xf32> to vector<1x1x1xf32>
    %reduce_sum3A_240 = vector.extract %reduce_sum3A_239[0, 0, 0] : f32 from vector<1x1x1xf32>
    %add3A_241 = arith.addf %get3A_236, %reduce_sum3A_240 : f32
    %swap3A_242 = arith.constant 0 : index
    %swap3A_243 = memref.load %arg5[%swap3A_242] : memref<1xf32, #tpu.memory_space<smem>>
    memref.store %add3A_241, %arg5[%swap3A_242] : memref<1xf32, #tpu.memory_space<smem>>
    return
  }
  func.func @transform_0(%arg0: i32) -> (i32, i32) {
    %c0_i32 = arith.constant 0 : i32
    %c0_i32_0 = arith.constant 0 : i32
    return %arg0, %c0_i32 : i32, i32
  }
  func.func @transform_1(%arg0: i32) -> (i32, i32) {
    %c0_i32 = arith.constant 0 : i32
    %c0_i32_0 = arith.constant 0 : i32
    %c0_i32_1 = arith.constant 0 : i32
    return %c0_i32, %c0_i32_0 : i32, i32
  }
  func.func @transform_2(%arg0: i32) -> (i32, i32) {
    %c0_i32 = arith.constant 0 : i32
    %c0_i32_0 = arith.constant 0 : i32
    return %arg0, %c0_i32 : i32, i32
  }
  func.func @transform_3(%arg0: i32) -> (i32, i32) {
    %c0_i32 = arith.constant 0 : i32
    %c0_i32_0 = arith.constant 0 : i32
    return %arg0, %c0_i32 : i32, i32
  }
  func.func @transform_4(%arg0: i32) -> i32 {
    %c0_i32 = arith.constant 0 : i32
    %c0_i32_0 = arith.constant 0 : i32
    return %c0_i32 : i32
  }
}

</mosaic_0001>

<sc_bundles>
// kernel: kernel.4.cloned.1.call-start
scs
__scs_entry_jumppad:
0x0: {  	(pc) =	sbr.rel $0x88, $3  }
0x1: {  	(tag) =	ssettag $0x0;
	lr =	simm.s32 $0x1  }
0x2: {  	[smem:$0x3F9F] =	sst lr;
	_ =	strace $0xD0000000  }
0x3: {  	_ = 	snop  }
0x4: {  	_ = 	snop  }
0x5: {  	_ = 	snop  }
0x6: {  	_ = 	snop  }
0x7: {  	_ = 	snop  }
__scs_overlays_trampoline_lowered:
0x8: {  	[smem:$0x3FAE] =	sst s0  }
0x9: {  	[smem:$0x3FAF] =	sst s1  }
0xa: {  	[smem:$0x3FB0] =	sst s2  }
0xb: {  	[smem:$0x3FB1] =	sst s3  }
0xc: {  	[smem:$0x3FB2] =	sst s4  }
0xd: {  	[smem:$0x3FB3] =	sst s5  }
0xe: {  	[smem:$0x3FB4] =	sst s6  }
0xf: {  	[smem:$0x3FB5] =	sst s7  }
0x10: {  	[smem:$0x3FB6] =	sst s8  }
0x11: {  	[smem:$0x3FB7] =	sst s9;
	s0 =	simm.s32 @!p0 $0x0  }
0x12: {  	s1 =	sld [smem:$0x3F9D];
	s0 =	simm.s32 @p0 $0x1  }
0x13: {  	[smem:$0x3FB8] =	sst s0;
	s0 =	simm.s32 @!p1 $0x0  }
0x14: {  	s2 =	sld [smem:$0x3F9C];
	s0 =	simm.s32 @p1 $0x1  }
0x15: {  	[smem:$0x3FB9] =	sst s0;
	s0 =	simm.s32 @!p2 $0x0  }
0x16: {  	s3 =	sld [smem:$0x3FDB];
	s0 =	simm.s32 @p2 $0x1  }
0x17: {  	s4 =	simm.s32 $0x1BF5;
	[smem:$0x3FBB] =	sst s0  }
0x18: {  	s0 =	sld [smem:$0x3F9E];
	_ =	swait.ge [sflag:s4], $0x0  }
0x19: {  	s7 =	sld [smem:$0x3F9F]  }
0x1a: {  	s8 =	sadd.s32 $0xFFFFE003, lr  }
0x1b: {  	s9 =	sadd.s32 $0xFFFFFEF7, lr;
	s5 =	simm.s32 $0xFFFFFFFF;
	p2 =	slt.u32 s8, $0xFFFFF086  }
0x1c: {  	p1 =	slt.u32 s9, $0xF7A;
	s5 =	simm.s32 @!p2 $0x0  }
0x1d: {  	s5 =	simm.s32 @p1 $0x1;
	p0 =	seq.s32 s7, s2  }
0x1e: {  	s7 =	smul.u32 @!p0 $0xF7A, s2;
	p2 =	seq.s32 @!p0 s5, $0x0  }
0x1f: {  	s9 =	smul.u32 $0xF7A, s1;
	s8 =	simm.s32 @!p0 $0x1BF5;
	p2 =	por !p2, p0  }
0x20: {  	[sflag:s8] =	ssyncset.s32 @!p0 $0xFFFFF086;
	s6 =	sadd.s32 @!p0 s3, s7;
	s7 =	simm.s32 @!p0 $0x108  }
0x21: {  	s3 =	sadd.s32 s3, s9;
	s6 =	sadd.s32 @!p0 $0x88, s6;
	s7 =	simm.s32 @p2 $0x1082  }
0x22: {  	[simem:s7], [sflag:s8] =	dma.local @!p0 [hbm:s6], $0xF7A  }
0x23: {  	s9 =	sor.u32 $0xD0000000, s2;
	s6 =	simm.s32 $0x108;
	_ =	swait.ge @!p0 [sflag:s8], $0x0  }
0x24: {  	s3 =	sadd.s32 $0x88, s3;
	s6 =	simm.s32 @!p1 $0x1082;
	[sflag:s4] =	ssyncset.s32 $0xFFFFF086  }
0x25: {  	[simem:s6], [sflag:s4] =	dma.local [hbm:s3], $0xF7A  }
0x26: {  	[smem:$0x3F9F] =	sst s1;
	(tag) =	ssettag s2;
	_ =	strace s9  }
0x27: {  	s1 =	sld [smem:$0x3FAF]  }
0x28: {  	s2 =	sld [smem:$0x3FB0]  }
0x29: {  	s4 =	sld [smem:$0x3FB2]  }
0x2a: {  	p0 =	seq.s32 s5, $0x0;
	s5 =	sld [smem:$0x3FB3]  }
0x2b: {  	s6 =	sld [smem:$0x3FB4]  }
0x2c: {  	s7 =	sld [smem:$0x3FB5]  }
0x2d: {  	s3 =	simm.s32 $0x108;
	s8 =	sld [smem:$0x3FB6]  }
0x2e: {  	s3 =	simm.s32 @!p0 $0x1082;
	s9 =	sld [smem:$0x3FB7]  }
0x2f: {  	lr =	sadd.s32 s0, s3;
	s0 =	sld [smem:$0x3FAE]  }
0x30: {  	s3 =	sld [smem:$0x3FB1]  }
0x31: {  	[smem:$0x3FBA] =	sst s10  }
0x32: {  	s10 =	sld [smem:$0x3FB8];
	_ =	sdelay $0x3  }
0x33: {  	p0 =	seq.s32 s10, $0x1;
	s10 =	sld [smem:$0x3FBA];
	_ =	sdelay $0x3  }
0x34: {  	[smem:$0x3FBA] =	sst s10  }
0x35: {  	s10 =	sld [smem:$0x3FB9];
	_ =	sdelay $0x3  }
0x36: {  	p1 =	seq.s32 s10, $0x1;
	s10 =	sld [smem:$0x3FBA];
	_ =	sdelay $0x3  }
0x37: {  	[smem:$0x3FBA] =	sst s10  }
0x38: {  	s10 =	sld [smem:$0x3FBB]  }
0x39: {  	_ = 	snop;
	(pc) =	sbr.ind lr, $3  }
0x3a: {  	_ = 	snop  }
0x3b: {  	_ = 	snop  }
0x3c: {  	p2 =	seq.s32 s10, $0x1;
	s10 =	sld [smem:$0x3FBA]  }
0x3d: {  	_ =	shalt  }
0x3e: {  	_ =	shalt  }
0x3f: {  	_ =	shalt  }
0x40: {  	_ =	shalt  }
0x41: {  	_ =	shalt  }
0x42: {  	_ =	shalt  }
0x43: {  	_ =	shalt  }
0x44: {  	_ =	shalt  }
0x45: {  	_ =	shalt  }
0x46: {  	_ =	shalt  }
0x47: {  	_ =	shalt  }
0x48: {  	_ =	shalt  }
0x49: {  	_ =	shalt  }
0x4a: {  	_ =	shalt  }
0x4b: {  	_ =	shalt  }
0x4c: {  	_ =	shalt  }
0x4d: {  	_ =	shalt  }
0x4e: {  	_ =	shalt  }
0x4f: {  	_ =	shalt  }
0x50: {  	_ =	shalt  }
0x51: {  	_ =	shalt  }
0x52: {  	_ =	shalt  }
0x53: {  	_ =	shalt  }
0x54: {  	_ =	shalt  }
0x55: {  	_ =	shalt  }
0x56: {  	_ =	shalt  }
0x57: {  	_ =	shalt  }
0x58: {  	_ =	shalt  }
0x59: {  	_ =	shalt  }
0x5a: {  	_ =	shalt  }
0x5b: {  	_ =	shalt  }
0x5c: {  	_ =	shalt  }
0x5d: {  	_ =	shalt  }
0x5e: {  	_ =	shalt  }
0x5f: {  	_ =	shalt  }
0x60: {  	_ =	shalt  }
0x61: {  	_ =	shalt  }
0x62: {  	_ =	shalt  }
0x63: {  	_ =	shalt  }
0x64: {  	_ =	shalt  }
0x65: {  	_ =	shalt  }
0x66: {  	_ =	shalt  }
0x67: {  	_ =	shalt  }
0x68: {  	_ =	shalt  }
0x69: {  	_ =	shalt  }
0x6a: {  	_ =	shalt  }
0x6b: {  	_ =	shalt  }
0x6c: {  	_ =	shalt  }
0x6d: {  	_ =	shalt  }
0x6e: {  	_ =	shalt  }
0x6f: {  	_ =	shalt  }
0x70: {  	_ =	shalt  }
0x71: {  	_ =	shalt  }
0x72: {  	_ =	shalt  }
0x73: {  	_ =	shalt  }
0x74: {  	_ =	shalt  }
0x75: {  	_ =	shalt  }
0x76: {  	_ =	shalt  }
0x77: {  	_ =	shalt  }
0x78: {  	_ =	shalt  }
0x79: {  	_ =	shalt  }
0x7a: {  	_ =	shalt  }
0x7b: {  	_ =	shalt  }
0x7c: {  	_ =	shalt  }
0x7d: {  	_ =	shalt  }
0x7e: {  	_ =	shalt  }
0x7f: {  	_ =	shalt  }
0x80: {  	_ =	shalt  }
0x81: {  	_ =	shalt  }
0x82: {  	_ =	shalt  }
0x83: {  	_ =	shalt  }
0x84: {  	_ =	shalt  }
0x85: {  	_ =	shalt  }
0x86: {  	_ =	shalt  }
0x87: {  	_ =	shalt  }
.Lfunc_end0:
.L_simem_size_0:
called_computation_lowered:
.L_overlay_start_0:
0x88: {  	s2 =	sld [smem:$0x3FD9]  }
0x89: {  	s3 =	sld [smem:$0x3FFE];
	_ =	sdelay $0x1  }
0x8a: {  	s1 =	srdreg.scid  }
0x8b: {  	s0 =	sand.u32 $0x1, s1  }
0x8c: {  	s14 =	sshll.u32 s0, $0xA;
	s2 =	sadd.s32 s3, s2  }
0x8d: {  	s2 =	sadd.s32 s2, s14  }
0x8e: {  	[smem:$0x3FC6] =	sst s2  }
0x8f: {  	_ = 	snop  }
0x90: {  	s2 =	sld [smem:$0x3FD0];
	_ =	sdelay $0x2  }
0x91: {  	s15 =	simm.s32 $0xA;
	s4 =	simm.s32 $0x10  }
0x92: {  	[smem:s4], [sflag:s15] =	dma.local [hbm:s2], $0x1  }
0x93: {  	_ =	swait.eq [sflag:s15], $0x1  }
0x94: {  	[sflag:s15] =	ssyncset.done $0x0  }
0x95: {  	[sflag:s15] =	ssyncadd.s32 $0xFFFFFFFF  }
0x96: {  	s16 =	sld [smem:$0x10];
	(tm) =	ssettm $0x1  }
0x97: {  	s17 =	sld [smem:$0x3FFB];
	_ =	sdelay $0x3  }
0x98: {  	_ =	strace s17  }
0x99: {  	s3 =	sld [smem:$0x3FFC];
	_ =	sdelay $0x3  }
0x9a: {  	_ =	strace s3  }
0x9b: {  	s3 =	sld [smem:$0x3FFD];
	_ =	sdelay $0x3  }
0x9c: {  	_ =	strace s3  }
0x9d: {  	_ =	strace $0x8FFFFFFF  }
0x9e: {  	s18 =	sld [smem:$0x3FDB];
	_ =	sdelay $0x1  }
0x9f: {  	s19 =	simm.s32 $_scs_section_size  }
0xa0: {  	s5 =	simm.s32 $_size__tile_overlayer_lowered;
	s6 =	simm.s32 $_tile_overlayer_lowered  }
0xa1: {  	s22 =	simm.s32 $0x1BFF;
	s21 =	sshll.u32 s6, $0x1;
	s3 =	sadd.s32 s19, s18  }
0xa2: {  	s7 =	simm.s32 $0x0;
	s20 =	sshll.u32 s5, $0x1;
	s5 =	sadd.s32 s21, s3  }
0xa3: {  	[timem:s7], [sflag:s22] =	dma.local [hbm:s5], s20  }
0xa4: {  	_ =	swait.ge [sflag:s22], s20  }
0xa5: {  	s4 =	ssub.s32 $0x0, s20;
	[sflag:s22] =	ssyncset.done $0x0  }
0xa6: {  	[sflag:s22] =	ssyncadd.s32 s4;
	_ =	sdelay $0x1  }
0xa7: {  	s23 =	simm.s32 $0x1B8B  }
0xa8: {  	_ =	swait.ge [sflag:s23], $0x1  }
0xa9: {  	[sflag:s23] =	ssyncset.done $0x0  }
0xaa: {  	s25 =	simm.s32 $0x1B8E;
	s24 =	sld [smem:$0x3FFE];
	[sflag:s23] =	ssyncadd.s32 $0xFFFFFFFF  }
0xab: {  	s26 =	simm.s32 $execute0_lowered;
	[smem:$0x3FD2] =	sst s25  }
0xac: {  	s5 =	sshll.u32 s26, $0x1;
	_ =	strace $0x80000046;
	[dreg:$0x1] =	wrdreg $0xFFFFFFFF  }
0xad: {  	s28 =	simm.s32 $_size_execute0_lowered;
	s3 =	sadd.s32 s3, s5;
	[dreg:$0x0] =	wrdreg $0x0  }
0xae: {  	s5 =	sshll.u32 s28, $0x1;
	[dreg:$0x2] =	wrdreg s3  }
0xaf: {  	[dreg:$0x3] =	wrdreg s5  }
0xb0: {  	[dreg:$0x4] =	wrdreg $0xC0  }
0xb1: {  	_ =	task [dreg:s7], $0x5FFFF  }
0xb2: {  	[dreg:$0x1] =	wrdreg $0xFFFFFFFF  }
0xb3: {  	[dreg:$0x0] =	wrdreg $0x60  }
0xb4: {  	[dreg:$0x2] =	wrdreg s24  }
0xb5: {  	[dreg:$0x3] =	wrdreg s16  }
0xb6: {  	[dreg:$0x4] =	wrdreg $0x9  }
0xb7: {  	_ =	task.clear_ibuf [dreg:s7], $0x5FFFF;
	_ =	strace $0x90000046  }
0xb8: {  	s29 =	simm.s32 $0x9;
	_ =	strace $0x80000048  }
0xb9: {  	_ =	swait.ge [sflag:s29], $0x1  }
0xba: {  	[sflag:s29] =	ssyncadd.s32 $0xFFFFFFFF  }
0xbb: {  	_ =	strace $0x90000048  }
0xbc: {  	_ =	sfence  }
0xbd: {  	s30 =	sld [smem:$0x0];
	_ =	sdelay $0x2  }
0xbe: {  	s31 =	sshll.u32 s1, $0xD;
	s1 =	sshrl.u32 s1, $0x2  }
0xbf: {  	s3 =	sand.u32 $0x4000, s31;
	s1 =	sadd.s32 s1, s30  }
0xc0: {  	s0 =	sor.u32 s3, s0;
	s1 =	sshll.u32 s1, $0x11  }
0xc1: {  	s0 =	sor.u32 s1, s0  }
0xc2: {  	s0 =	sadd.s32 $0x8F2B, s0  }
0xc3: {  	[sflag:s0] =	ssyncadd.remote.s32 $0x1  }
0xc4: {  	_ =	sfence.sel $0xFFFF  }
0xc5: {  	[dreg:$0x0] =	wrdreg $0xFFFFFFFF;
	(pc) =	sbr.abs _section_cstart, $3  }
0xc6: {  	[dreg:$0x1] =	wrdreg $0xFFFFFFFF  }
0xc7: {  	_ =	task.clear_ibuf [dreg:s7], $0x2FFFF;
	_ =	strace $0x9FFFFFFF  }
0xc8: {  	(tm) =	ssettm $0x7FFFFFFF  }
0xc9: {  	_ =	shalt  }
tec
execute0_lowered:
.L_overlay_start_1:
0x0: {  	(tag) =	ssettag $0x1  }
0x1: {  	s1 =	srdreg.scid;
	s2 =	rddreg [dreg:$0x0]  }
0x2: {  	s0 =	stileid.u32;
	s4 =	rddreg [dreg:$0x1];
	s6 =	sand.u32 $0x1, s1  }
0x3: {  	s3 =	simm.s32 $0x0;
	s5 =	sshll.u32 s0, $0x9;
	s7 =	sshll.u32 s6, $0x8  }
0x4: {  	[smem:$0x7FF] =	sst s3;
	s8 =	sor.u32 s7, s5  }
0x5: {  	s1 =	rddreg [dreg:$0x2];
	_ =	strace $0x80000047;
	s5 =	sshrl.u32 s8, $0x3  }
0x6: {  	s9 =	ssub.s32 $0x2, s6;
	s5 =	sadd.s32 s4, s5;
	s4 =	simm.s32 $0x2  }
0x7: {  	[tilespmem:s3], [sflag:$0x2] =	stream.linear.gather [hbm4b:s5+s3], $0x100, $0x38;
	[tilespmem:$0x8100] =	vst v63  }
0x8: {  	s10 =	sshrl.u32 s9, $0x1;
	_ =	swait.ge [sflag:s4], $0x100  }
0x9: {  	s6 =	simm.s32 $0x100;
	s9 =	ssub.s32 s9, s10;
	[sflag:s4] =	ssyncset.done $0x0  }
0xa: {  	s7 =	simm.s32 $0x1;
	s9 =	smax.u32 s9, $0x1;
	[sflag:s4] =	ssyncadd.s32 $0xFFFFFF00  }
0xb: {  	[tilespmem:s6], [sflag:$0x1] =	stream.indirect.gather [hbm4b:s2+s6], $0x80, s3, s6, $0xb8;
	[tilespmem:$0x8100] =	vst v63  }
0xc: {  	s8 =	sshll.u32 s8, $0x4;
	p0 =	sne.s32 s9, $0x1;
	_ =	swait.ge [sflag:s7], $0x8000  }
.Ltmp0:
0xd: {  	s8 =	sadd.s32 s8, s2;
	[sflag:s7] =	ssyncset.done $0x0;
	(pc) =	sbr.rel @!p0 .LBB2_2-.Ltmp0, $4  }
0xe: {  	s8 =	sadd.s32 $0x20000, s8;
	[sflag:s7] =	ssyncadd.s32 $0xFFFF8000  }
0xf: {  	[hbm4b:s8+s3] =	stream.linear.scatter [tilespmem:s6], [sflag:$0x2], $0x8000, $0x38;
	[tilespmem:$0x8100] =	vst v63  }
0x10: {  	_ =	swait.ge [sflag:s4], $0x8000  }
0x11: {  	s9 =	sadd.s32 $0xFFFFFFFF, s9;
	[sflag:s4] =	ssyncset.done $0x0  }
.LBB2_1:
0x12: {  	p0 =	sne.s32 s9, $0x1;
	s9 =	sadd.s32 $0xFFFFFFFF, s9;
	[sflag:s4] =	ssyncadd.s32 $0xFFFF8000  }
0x13: {  	[tilespmem:s3], [sflag:$0x2] =	stream.linear.gather [hbm4b:s5+s3], $0x100, $0x38;
	[tilespmem:$0x8100] =	vst v63  }
0x14: {  	_ =	swait.ge [sflag:s4], $0x100  }
0x15: {  	[sflag:s4] =	ssyncset.done $0x0  }
0x16: {  	[sflag:s4] =	ssyncadd.s32 $0xFFFFFF00  }
0x17: {  	[tilespmem:s6], [sflag:$0x1] =	stream.indirect.gather [hbm4b:s2+s6], $0x80, s3, s6, $0xb8;
	[tilespmem:$0x8100] =	vst v63  }
0x18: {  	_ =	swait.ge [sflag:s7], $0x8000  }
.Ltmp1:
0x19: {  	[sflag:s7] =	ssyncset.done $0x0;
	(pc) =	sbr.rel @p0 .LBB2_1-.Ltmp1, $4  }
0x1a: {  	[sflag:s7] =	ssyncadd.s32 $0xFFFF8000  }
0x1b: {  	[hbm4b:s8+s3] =	stream.linear.scatter [tilespmem:s6], [sflag:$0x2], $0x8000, $0x38;
	[tilespmem:$0x8100] =	vst v63  }
0x1c: {  	_ =	swait.ge [sflag:s4], $0x8000  }
0x1d: {  	[sflag:s4] =	ssyncset.done $0x0  }
.LBB2_2:
0x1e: {  	[sflag:s4] =	ssyncadd.s32 $0xFFFF8000  }
0x1f: {  	_ =	sfence.sel $0x180000  }
0x20: {  	[bflag:$0x0] =	sbarrier.arrive $0xFFFF  }
0x21: {  	p0 =	sne.s32 s0, $0x0;
	_ =	strace $0x90000047  }
0x22: {  	s0 =	sadd.s32 @!p0 $0x100000, s1;
	[bflag:$0x2] =	sbarrier.arrive $0xFFFF  }
0x23: {  	[sflag:s0] =	ssyncadd.tile.s32 @!p0 $0x1;
	_ =	shalt  }
.Lfunc_end2:
_tile_overlayer_lowered:
.L_overlay_start_2:
0x24: {  	(tag) =	ssettag $0x2  }
0x25: {  	s0 =	rddreg [dreg:$0x0];
	s2 =	stileid.u32  }
0x26: {  	s1 =	rddreg [dreg:$0x1];
	p0 =	sne.s32 s2, $0x0  }
0x27: {  	s3 =	rddreg [dreg:$0x2];
	[bflag:$0x3] =	sbarrier.arrive $0xFFFF;
	s2 =	simm.s32 @!p0 $0x1C02  }
0x28: {  	[timem:s3], [sflag:s2] =	dma.local @!p0 [hbm:s0], s1  }
0x29: {  	s0 =	simm.s32 @!p0 $0x2  }
0x2a: {  	_ =	swait.ge @!p0 [sflag:s0], s1  }
0x2b: {  	s1 =	ssub.s32 @!p0 $0x0, s1;
	[sflag:s0] =	ssyncset.done @!p0 $0x0  }
0x2c: {  	[sflag:s0] =	ssyncadd.s32 @!p0 s1  }
0x2d: {  	[bflag:$0x3] =	sbarrier.arrive $0xFFFF  }
0x2e: {  	_ =	shalt  }

</sc_bundles>
